<compile_context>
chip_gen: v7x
topology: tpu7x:2x2x1
jax: 0.10.2.dev20260603
libtpu: 0.0.44.dev20260713+nightly
codegen_flags: <defaults>
</compile_context>

<pallas_src>
import functools

import jax
import jax.numpy as jnp
from jax import lax
from jax.experimental import pallas as pl
from jax.experimental.pallas import tpu as pltpu
from jax.experimental.pallas import tpu_sc as plsc

_NUM_CORES = 2
_NUM_SUBCORES = 16
_NW = _NUM_CORES * _NUM_SUBCORES
_L = 16


def _sc_body(nframes, natom, ntypes, cols,
             coord_hbm, spin_hbm, atype_hbm, force_hbm, vsm_hbm,
             cs_hbm, as_hbm, fm_hbm, mk_hbm,
             coord_v, spin_v, atype_v, fmag_v,
             table_v, vmask_v, atspin_v, mask_v,
             sem_a, sem_c, sem_s, sem_fm, sem_o):
  wid = lax.axis_index("c") * _NUM_SUBCORES + lax.axis_index("s")
  c0 = wid * cols
  groups = cols // _L

  in_a = pltpu.async_copy(atype_hbm.at[:, pl.ds(c0, cols)], atype_v, sem_a)
  in_c = pltpu.async_copy(coord_hbm.at[:, :, pl.ds(c0, cols)], coord_v, sem_c)
  in_s = pltpu.async_copy(spin_hbm.at[:, :, pl.ds(c0, cols)], spin_v, sem_s)
  in_fm = pltpu.async_copy(
      force_hbm.at[:, :, pl.ds(natom + c0, cols)], fmag_v, sem_fm)
  pltpu.sync_copy(vsm_hbm, table_v)

  in_a.wait()

  def body_atype(g, carry):
    r = g // groups
    cc = (g % groups) * _L
    at = atype_v[r, pl.ds(cc, _L)]
    vm = plsc.load_gather(table_v, [at])
    vmask_v[r, pl.ds(cc, _L)] = vm
    atspin_v[r, pl.ds(cc, _L)] = at + ntypes
    mask_v[r, pl.ds(cc, _L)] = jnp.where(vm > 0.0, jnp.int32(1), jnp.int32(0))
    return carry

  lax.fori_loop(0, nframes * groups, body_atype, 0)

  out_ar = pltpu.async_copy(atype_v, as_hbm.at[:, pl.ds(c0, cols)], sem_o)
  out_av = pltpu.async_copy(
      atspin_v, as_hbm.at[:, pl.ds(natom + c0, cols)], sem_o)
  out_mk = pltpu.async_copy(mask_v, mk_hbm.at[:, pl.ds(c0, cols)], sem_o)

  in_c.wait()
  out_cr = pltpu.async_copy(coord_v, cs_hbm.at[:, :, pl.ds(c0, cols)], sem_o)
  in_s.wait()
  in_fm.wait()

  def body_vec(g, carry):
    r = g // groups
    cc = (g % groups) * _L
    vm = vmask_v[r, pl.ds(cc, _L)]
    for p in range(3):
      spin_v[p, r, pl.ds(cc, _L)] = (
          coord_v[p, r, pl.ds(cc, _L)] + spin_v[p, r, pl.ds(cc, _L)] * vm)
      fmag_v[p, r, pl.ds(cc, _L)] = fmag_v[p, r, pl.ds(cc, _L)] * vm
    return carry

  lax.fori_loop(0, nframes * groups, body_vec, 0)
  out_cv = pltpu.async_copy(
      spin_v, cs_hbm.at[:, :, pl.ds(natom + c0, cols)], sem_o)
  out_fm = pltpu.async_copy(fmag_v, fm_hbm.at[:, :, pl.ds(c0, cols)], sem_o)

  out_ar.wait()
  out_av.wait()
  out_mk.wait()
  out_cr.wait()
  out_cv.wait()
  out_fm.wait()


def kernel(coord, atype, spin, force, virtual_scale_mask):
  nframes, natom = coord.shape[0], coord.shape[1]
  ntypes = virtual_scale_mask.shape[0]
  assert natom % _NW == 0
  cols = natom // _NW
  assert cols % _L == 0

  mesh = plsc.VectorSubcoreMesh(
      core_axis_name="c", subcore_axis_name="s",
      num_cores=_NUM_CORES, num_subcores=_NUM_SUBCORES)

  f32, i32 = jnp.float32, jnp.int32
  run = pl.kernel(
      functools.partial(_sc_body, nframes, natom, ntypes, cols),
      out_type=[
          jax.ShapeDtypeStruct((3, nframes, 2 * natom), f32),
          jax.ShapeDtypeStruct((nframes, 2 * natom), i32),
          jax.ShapeDtypeStruct((3, nframes, natom), f32),
          jax.ShapeDtypeStruct((nframes, natom), i32),
      ],
      mesh=mesh,
      compiler_params=pltpu.CompilerParams(needs_layout_passes=False),
      scratch_types=[
          pltpu.VMEM((3, nframes, cols), f32),
          pltpu.VMEM((3, nframes, cols), f32),
          pltpu.VMEM((nframes, cols), i32),
          pltpu.VMEM((3, nframes, cols), f32),
          pltpu.VMEM((ntypes,), f32),
          pltpu.VMEM((nframes, cols), f32),
          pltpu.VMEM((nframes, cols), i32),
          pltpu.VMEM((nframes, cols), i32),
          pltpu.SemaphoreType.DMA,
          pltpu.SemaphoreType.DMA,
          pltpu.SemaphoreType.DMA,
          pltpu.SemaphoreType.DMA,
          pltpu.SemaphoreType.DMA,
      ],
  )

  cs_t, ats, fm_t, mk = run(
      jnp.transpose(coord, (2, 0, 1)), jnp.transpose(spin, (2, 0, 1)),
      atype, jnp.transpose(force, (2, 0, 1)), virtual_scale_mask)

  coord_spin = jnp.transpose(cs_t, (1, 2, 0))
  force_real = force[:, :natom]
  force_mag = jnp.transpose(fm_t, (1, 2, 0))
  atomic_mask = mk.reshape(nframes, natom, 1).astype(jnp.bool_)
  return coord_spin, ats, force_real, force_mag, atomic_mask

# --- scband reference (transcript-rebuilt; emitter-appended) ---
"""Pipeline reference for scband-spin-model-70239895158965 (READ-ONLY COPY).

The authoritative reference and input builder live on the scoring server;
editing this copy changes nothing except your own understanding.
"""

import jax, jax.numpy as jnp
import numpy as np


def setup_inputs(seed: int = 0) -> dict:
    key = jax.random.key(seed)
    k1, k2, k3, k4, k5 = jax.random.split(key, 5)
    nframes, natom, ntypes_real = 8, 16384, 8
    coord = jax.random.normal(k1, (nframes, natom, 3), dtype=jnp.float32)
    spin = jax.random.normal(k2, (nframes, natom, 3), dtype=jnp.float32)
    atype = jax.random.randint(k3, (nframes, natom), 0, ntypes_real, dtype=jnp.int32)
    force = jax.random.normal(k4, (nframes, 2 * natom, 3), dtype=jnp.float32)
    virtual_scale_mask = jax.random.uniform(k5, (ntypes_real,), dtype=jnp.float32)
    return {
        "coord": coord,
        "atype": atype,
        "spin": spin,
        "force": force,
        "virtual_scale_mask": virtual_scale_mask,
    }


def reference(coord, atype, spin, force, virtual_scale_mask):
    # Faithful translation of SpinModel.process_spin_input + process_spin_output.
    nframes, natom = coord.shape[0], coord.shape[1]
    ntypes_real = virtual_scale_mask.shape[0]
    # process_spin_input: generate virtual coords/types and concat
    atype_spin = jnp.concatenate([atype, atype + ntypes_real], axis=-1)
    vmask = jnp.take(virtual_scale_mask, atype, axis=0).reshape(nframes, natom, 1)
    virtual_coord = coord + spin * vmask
    coord_spin = jnp.concatenate([coord, virtual_coord], axis=-2)
    # process_spin_output: split backbone force into real/virtual, scale virtual
    force_real = force[:, :natom]
    force_mag = force[:, natom:]
    force_mag = (force_mag.reshape(nframes, natom, -1) * vmask).reshape(force_mag.shape)
    atomic_mask = vmask > 0.0
    return coord_spin, atype_spin, force_real, force_mag, atomic_mask

if __name__ == "__main__":
    import jax
    _d = setup_inputs()
    print(jax.jit(kernel)(*tuple(_d.values())))

</pallas_src>

<mosaic_0001>
#map = affine_map<(d0, d1) -> (0, 0, 0)>
#map1 = affine_map<(d0, d1) -> (0, 0)>
#map2 = affine_map<(d0, d1) -> (0)>
module attributes {stable_mosaic.version = 14 : i64} {
  func.func @_sc_body(%arg0: i32, %arg1: i32, %arg2: memref<3x8x16384xf32, #tpu.memory_space<hbm>>, %arg3: memref<3x8x16384xf32, #tpu.memory_space<hbm>>, %arg4: memref<8x16384xi32, #tpu.memory_space<hbm>>, %arg5: memref<3x8x32768xf32, #tpu.memory_space<hbm>>, %arg6: memref<8xf32, #tpu.memory_space<hbm>>, %arg7: memref<3x8x32768xf32, #tpu.memory_space<hbm>>, %arg8: memref<8x32768xi32, #tpu.memory_space<hbm>>, %arg9: memref<3x8x16384xf32, #tpu.memory_space<hbm>>, %arg10: memref<8x16384xi32, #tpu.memory_space<hbm>>, %arg11: memref<3x8x512xf32, #tpu.memory_space<vmem>>, %arg12: memref<3x8x512xf32, #tpu.memory_space<vmem>>, %arg13: memref<8x512xi32, #tpu.memory_space<vmem>>, %arg14: memref<3x8x512xf32, #tpu.memory_space<vmem>>, %arg15: memref<8xf32, #tpu.memory_space<vmem>>, %arg16: memref<8x512xf32, #tpu.memory_space<vmem>>, %arg17: memref<8x512xi32, #tpu.memory_space<vmem>>, %arg18: memref<8x512xi32, #tpu.memory_space<vmem>>, %arg19: memref<!tpu.dma_semaphore, #tpu.memory_space<semaphore_mem>>, %arg20: memref<!tpu.dma_semaphore, #tpu.memory_space<semaphore_mem>>, %arg21: memref<!tpu.dma_semaphore, #tpu.memory_space<semaphore_mem>>, %arg22: memref<!tpu.dma_semaphore, #tpu.memory_space<semaphore_mem>>, %arg23: memref<!tpu.dma_semaphore, #tpu.memory_space<semaphore_mem>>) attributes {dimension_semantics = [#tpu.dimension_semantics<core_parallel>, #tpu.dimension_semantics<subcore_parallel>], iteration_bounds = array<i64: 2, 16>, scalar_prefetch = 0 : i64, scratch_operands = 13 : i64, tpu.core_type = #tpu.core_type<sc_vector_subcore>, window_params = [{transform_indices = #map}, {transform_indices = #map}, {transform_indices = #map1}, {transform_indices = #map}, {transform_indices = #map2}, {transform_indices = #map}, {transform_indices = #map1}, {transform_indices = #map}, {transform_indices = #map1}]} {
    %mul3A = arith.constant 16 : i32
    %mul3A_0 = arith.muli %arg0, %mul3A : i32
    %add3A = arith.addi %mul3A_0, %arg1 : i32
    %mul3A_1 = arith.constant 512 : i32
    %mul3A_2 = arith.muli %add3A, %mul3A_1 : i32
    %dma_start3A = arith.constant 0 : i32
    %dma_start3A_3 = tpu.memref_slice %arg4[%dma_start3A, %mul3A_2] : memref<8x16384xi32, #tpu.memory_space<hbm>> -> memref<8x512xi32, #tpu.memory_space<hbm>>
    %dma_start3A_4 = arith.constant 0 : i32
    %dma_start3A_5 = tpu.memref_slice %arg4[%dma_start3A_4, %mul3A_2] : memref<8x16384xi32, #tpu.memory_space<hbm>> -> memref<8x512xi32, #tpu.memory_space<hbm>>
    tpu.enqueue_dma source(%dma_start3A_5 : memref<8x512xi32, #tpu.memory_space<hbm>>) target(%arg13 : memref<8x512xi32, #tpu.memory_space<vmem>>) target_semaphore(%arg19 : memref<!tpu.dma_semaphore, #tpu.memory_space<semaphore_mem>>)
    %dma_start3A_6 = arith.constant 0 : i32
    %dma_start3A_7 = arith.constant 0 : i32
    %dma_start3A_8 = tpu.memref_slice %arg2[%dma_start3A_6, %dma_start3A_7, %mul3A_2] : memref<3x8x16384xf32, #tpu.memory_space<hbm>> -> memref<3x8x512xf32, #tpu.memory_space<hbm>>
    %dma_start3A_9 = arith.constant 0 : i32
    %dma_start3A_10 = arith.constant 0 : i32
    %dma_start3A_11 = tpu.memref_slice %arg2[%dma_start3A_9, %dma_start3A_10, %mul3A_2] : memref<3x8x16384xf32, #tpu.memory_space<hbm>> -> memref<3x8x512xf32, #tpu.memory_space<hbm>>
    tpu.enqueue_dma source(%dma_start3A_11 : memref<3x8x512xf32, #tpu.memory_space<hbm>>) target(%arg11 : memref<3x8x512xf32, #tpu.memory_space<vmem>>) target_semaphore(%arg20 : memref<!tpu.dma_semaphore, #tpu.memory_space<semaphore_mem>>)
    %dma_start3A_12 = arith.constant 0 : i32
    %dma_start3A_13 = arith.constant 0 : i32
    %dma_start3A_14 = tpu.memref_slice %arg3[%dma_start3A_12, %dma_start3A_13, %mul3A_2] : memref<3x8x16384xf32, #tpu.memory_space<hbm>> -> memref<3x8x512xf32, #tpu.memory_space<hbm>>
    %dma_start3A_15 = arith.constant 0 : i32
    %dma_start3A_16 = arith.constant 0 : i32
    %dma_start3A_17 = tpu.memref_slice %arg3[%dma_start3A_15, %dma_start3A_16, %mul3A_2] : memref<3x8x16384xf32, #tpu.memory_space<hbm>> -> memref<3x8x512xf32, #tpu.memory_space<hbm>>
    tpu.enqueue_dma source(%dma_start3A_17 : memref<3x8x512xf32, #tpu.memory_space<hbm>>) target(%arg12 : memref<3x8x512xf32, #tpu.memory_space<vmem>>) target_semaphore(%arg21 : memref<!tpu.dma_semaphore, #tpu.memory_space<semaphore_mem>>)
    %add3A_18 = arith.constant 16384 : i32
    %add3A_19 = arith.addi %add3A_18, %mul3A_2 : i32
    %dma_start3A_20 = arith.constant 0 : i32
    %dma_start3A_21 = arith.constant 0 : i32
    %dma_start3A_22 = tpu.memref_slice %arg5[%dma_start3A_20, %dma_start3A_21, %add3A_19] : memref<3x8x32768xf32, #tpu.memory_space<hbm>> -> memref<3x8x512xf32, #tpu.memory_space<hbm>>
    %dma_start3A_23 = arith.constant 0 : i32
    %dma_start3A_24 = arith.constant 0 : i32
    %dma_start3A_25 = tpu.memref_slice %arg5[%dma_start3A_23, %dma_start3A_24, %add3A_19] : memref<3x8x32768xf32, #tpu.memory_space<hbm>> -> memref<3x8x512xf32, #tpu.memory_space<hbm>>
    tpu.enqueue_dma source(%dma_start3A_25 : memref<3x8x512xf32, #tpu.memory_space<hbm>>) target(%arg14 : memref<3x8x512xf32, #tpu.memory_space<vmem>>) target_semaphore(%arg22 : memref<!tpu.dma_semaphore, #tpu.memory_space<semaphore_mem>>)
    "tpu.region"() ({
      %run_scoped3A = tpu.sem_alloc : memref<!tpu.dma_semaphore, #tpu.memory_space<semaphore_mem>>
      tpu.enqueue_dma source(%arg6 : memref<8xf32, #tpu.memory_space<hbm>>) target(%arg15 : memref<8xf32, #tpu.memory_space<vmem>>) target_semaphore(%run_scoped3A : memref<!tpu.dma_semaphore, #tpu.memory_space<semaphore_mem>>)
      tpu.wait_dma2 semaphore(%run_scoped3A : memref<!tpu.dma_semaphore, #tpu.memory_space<semaphore_mem>>) src(%arg6 : memref<8xf32, #tpu.memory_space<hbm>>) dst(%arg15 : memref<8xf32, #tpu.memory_space<vmem>>)
      tpu.yield
    }) : () -> ()
    %dma_wait3A = arith.constant 0 : i32
    %dma_wait3A_26 = tpu.memref_slice %arg4[%dma_wait3A, %mul3A_2] : memref<8x16384xi32, #tpu.memory_space<hbm>> -> memref<8x512xi32, #tpu.memory_space<hbm>>
    %dma_wait3A_27 = arith.constant 0 : i32
    %dma_wait3A_28 = tpu.memref_slice %arg4[%dma_wait3A_27, %mul3A_2] : memref<8x16384xi32, #tpu.memory_space<hbm>> -> memref<8x512xi32, #tpu.memory_space<hbm>>
    tpu.wait_dma2 semaphore(%arg19 : memref<!tpu.dma_semaphore, #tpu.memory_space<semaphore_mem>>) src(%dma_wait3A_28 : memref<8x512xi32, #tpu.memory_space<hbm>>) dst(%arg13 : memref<8x512xi32, #tpu.memory_space<vmem>>)
    %scan3A = arith.constant 0 : i32
    %scan3A_29 = arith.constant 0 : i32
    %scan3A_30 = arith.constant 256 : i32
    %scan3A_31 = arith.addi %scan3A_29, %scan3A_30 : i32
    %scan3A_32 = arith.constant 1 : i32
    scf.for %scan3A_122 = %scan3A_29 to %scan3A_31 step %scan3A_32  : i32 {
      %jit3A = arith.constant 32 : i32
      %div3A = arith.divsi %scan3A_122, %jit3A : i32
      %sign3A = arith.constant 0 : i32
      %sign3A_123 = arith.cmpi sgt, %scan3A_122, %sign3A : i32
      %sign3A_124 = arith.extui %sign3A_123 : i1 to i32
      %sign3A_125 = arith.constant 0 : i32
      %sign3A_126 = arith.cmpi slt, %scan3A_122, %sign3A_125 : i32
      %sign3A_127 = arith.extui %sign3A_126 : i1 to i32
      %sign3A_128 = arith.subi %sign3A_124, %sign3A_127 : i32
      %sign3A_129 = arith.constant 0 : i32
      %sign3A_130 = arith.cmpi sgt, %jit3A, %sign3A_129 : i32
      %sign3A_131 = arith.extui %sign3A_130 : i1 to i32
      %sign3A_132 = arith.constant 0 : i32
      %sign3A_133 = arith.cmpi slt, %jit3A, %sign3A_132 : i32
      %sign3A_134 = arith.extui %sign3A_133 : i1 to i32
      %sign3A_135 = arith.subi %sign3A_131, %sign3A_134 : i32
      %ne3A = arith.cmpi ne, %sign3A_128, %sign3A_135 : i32
      %rem3A = arith.remsi %scan3A_122, %jit3A : i32
      %ne3A_136 = arith.constant 0 : i32
      %ne3A_137 = arith.cmpi ne, %rem3A, %ne3A_136 : i32
      %and3A = arith.andi %ne3A, %ne3A_137 : i1
      %sub3A = arith.constant 1 : i32
      %sub3A_138 = arith.subi %div3A, %sub3A : i32
      %select_n3A = arith.select %and3A, %sub3A_138, %div3A : i32
      %jit3A_139 = arith.constant 32 : i32
      %eq3A = arith.constant 0 : i32
      %eq3A_140 = arith.cmpi eq, %jit3A_139, %eq3A : i32
      %jit3A_141 = arith.constant 1 : i32
      %select_n3A_142 = arith.select %eq3A_140, %jit3A_141, %jit3A_139 : i32
      %rem3A_143 = arith.remsi %scan3A_122, %select_n3A_142 : i32
      %ne3A_144 = arith.constant 0 : i32
      %ne3A_145 = arith.cmpi ne, %rem3A_143, %ne3A_144 : i32
      %lt3A = arith.constant 0 : i32
      %lt3A_146 = arith.cmpi slt, %rem3A_143, %lt3A : i32
      %lt3A_147 = arith.constant 0 : i32
      %lt3A_148 = arith.cmpi slt, %select_n3A_142, %lt3A_147 : i32
      %ne3A_149 = arith.xori %lt3A_146, %lt3A_148 : i1
      %and3A_150 = arith.andi %ne3A_149, %ne3A_145 : i1
      %add3A_151 = arith.addi %rem3A_143, %select_n3A_142 : i32
      %select_n3A_152 = arith.select %and3A_150, %add3A_151, %rem3A_143 : i32
      %mul3A_153 = arith.constant 16 : i32
      %mul3A_154 = arith.muli %select_n3A_152, %mul3A_153 : i32
      %get3A = arith.index_cast %select_n3A : i32 to index
      %get3A_155 = arith.index_cast %mul3A_154 : i32 to index
      %get3A_156 = tpu.vector_load %arg13[%get3A, %get3A_155] {strides = array<i32>} : memref<8x512xi32, #tpu.memory_space<vmem>>, vector<16xi32>,
      %gather3A = tpu.vector_load_idx %arg15[%get3A_156] : memref<8xf32, #tpu.memory_space<vmem>>[vector<16xi32>], vector<16xf32>,
      %swap3A = arith.index_cast %select_n3A : i32 to index
      %swap3A_157 = arith.index_cast %mul3A_154 : i32 to index
      %swap3A_158 = tpu.vector_load %arg16[%swap3A, %swap3A_157] {strides = array<i32>} : memref<8x512xf32, #tpu.memory_space<vmem>>, vector<16xf32>,
      tpu.vector_store %arg16[%swap3A, %swap3A_157], %gather3A {strides = array<i32>} : memref<8x512xf32, #tpu.memory_space<vmem>>, vector<16xf32>,
      %add3A_159 = arith.constant 8 : i32
      %add3A_160 = vector.broadcast %add3A_159 : i32 to vector<16xi32>
      %add3A_161 = arith.addi %get3A_156, %add3A_160 : vector<16xi32>
      %swap3A_162 = arith.index_cast %select_n3A : i32 to index
      %swap3A_163 = arith.index_cast %mul3A_154 : i32 to index
      %swap3A_164 = tpu.vector_load %arg17[%swap3A_162, %swap3A_163] {strides = array<i32>} : memref<8x512xi32, #tpu.memory_space<vmem>>, vector<16xi32>,
      tpu.vector_store %arg17[%swap3A_162, %swap3A_163], %add3A_161 {strides = array<i32>} : memref<8x512xi32, #tpu.memory_space<vmem>>, vector<16xi32>,
      %gt3A = arith.constant 0.000000e+00 : f32
      %gt3A_165 = vector.broadcast %gt3A : f32 to vector<16xf32>
      %gt3A_166 = arith.cmpf ogt, %gather3A, %gt3A_165 : vector<16xf32>
      %jit3A_167 = arith.constant 1 : i32
      %jit3A_168 = arith.constant 0 : i32
      %broadcast_in_dim3A = vector.broadcast %jit3A_167 : i32 to vector<16xi32>
      %broadcast_in_dim3A_169 = vector.broadcast %jit3A_168 : i32 to vector<16xi32>
      %select_n3A_170 = arith.select %gt3A_166, %broadcast_in_dim3A, %broadcast_in_dim3A_169 : vector<16xi1>, vector<16xi32>
      %swap3A_171 = arith.index_cast %select_n3A : i32 to index
      %swap3A_172 = arith.index_cast %mul3A_154 : i32 to index
      %swap3A_173 = tpu.vector_load %arg18[%swap3A_171, %swap3A_172] {strides = array<i32>} : memref<8x512xi32, #tpu.memory_space<vmem>>, vector<16xi32>,
      tpu.vector_store %arg18[%swap3A_171, %swap3A_172], %select_n3A_170 {strides = array<i32>} : memref<8x512xi32, #tpu.memory_space<vmem>>, vector<16xi32>,
    }
    %scan3A_33 = arith.constant 256 : i32
    %dma_start3A_34 = arith.constant 0 : i32
    %dma_start3A_35 = tpu.memref_slice %arg8[%dma_start3A_34, %mul3A_2] : memref<8x32768xi32, #tpu.memory_space<hbm>> -> memref<8x512xi32, #tpu.memory_space<hbm>>
    %dma_start3A_36 = arith.constant 0 : i32
    %dma_start3A_37 = tpu.memref_slice %arg8[%dma_start3A_36, %mul3A_2] : memref<8x32768xi32, #tpu.memory_space<hbm>> -> memref<8x512xi32, #tpu.memory_space<hbm>>
    tpu.enqueue_dma source(%arg13 : memref<8x512xi32, #tpu.memory_space<vmem>>) target(%dma_start3A_37 : memref<8x512xi32, #tpu.memory_space<hbm>>) target_semaphore(%arg23 : memref<!tpu.dma_semaphore, #tpu.memory_space<semaphore_mem>>)
    %add3A_38 = arith.constant 16384 : i32
    %add3A_39 = arith.addi %add3A_38, %mul3A_2 : i32
    %dma_start3A_40 = arith.constant 0 : i32
    %dma_start3A_41 = tpu.memref_slice %arg8[%dma_start3A_40, %add3A_39] : memref<8x32768xi32, #tpu.memory_space<hbm>> -> memref<8x512xi32, #tpu.memory_space<hbm>>
    %dma_start3A_42 = arith.constant 0 : i32
    %dma_start3A_43 = tpu.memref_slice %arg8[%dma_start3A_42, %add3A_39] : memref<8x32768xi32, #tpu.memory_space<hbm>> -> memref<8x512xi32, #tpu.memory_space<hbm>>
    tpu.enqueue_dma source(%arg17 : memref<8x512xi32, #tpu.memory_space<vmem>>) target(%dma_start3A_43 : memref<8x512xi32, #tpu.memory_space<hbm>>) target_semaphore(%arg23 : memref<!tpu.dma_semaphore, #tpu.memory_space<semaphore_mem>>)
    %dma_start3A_44 = arith.constant 0 : i32
    %dma_start3A_45 = tpu.memref_slice %arg10[%dma_start3A_44, %mul3A_2] : memref<8x16384xi32, #tpu.memory_space<hbm>> -> memref<8x512xi32, #tpu.memory_space<hbm>>
    %dma_start3A_46 = arith.constant 0 : i32
    %dma_start3A_47 = tpu.memref_slice %arg10[%dma_start3A_46, %mul3A_2] : memref<8x16384xi32, #tpu.memory_space<hbm>> -> memref<8x512xi32, #tpu.memory_space<hbm>>
    tpu.enqueue_dma source(%arg18 : memref<8x512xi32, #tpu.memory_space<vmem>>) target(%dma_start3A_47 : memref<8x512xi32, #tpu.memory_space<hbm>>) target_semaphore(%arg23 : memref<!tpu.dma_semaphore, #tpu.memory_space<semaphore_mem>>)
    %dma_wait3A_48 = arith.constant 0 : i32
    %dma_wait3A_49 = arith.constant 0 : i32
    %dma_wait3A_50 = tpu.memref_slice %arg2[%dma_wait3A_48, %dma_wait3A_49, %mul3A_2] : memref<3x8x16384xf32, #tpu.memory_space<hbm>> -> memref<3x8x512xf32, #tpu.memory_space<hbm>>
    %dma_wait3A_51 = arith.constant 0 : i32
    %dma_wait3A_52 = arith.constant 0 : i32
    %dma_wait3A_53 = tpu.memref_slice %arg2[%dma_wait3A_51, %dma_wait3A_52, %mul3A_2] : memref<3x8x16384xf32, #tpu.memory_space<hbm>> -> memref<3x8x512xf32, #tpu.memory_space<hbm>>
    tpu.wait_dma2 semaphore(%arg20 : memref<!tpu.dma_semaphore, #tpu.memory_space<semaphore_mem>>) src(%dma_wait3A_53 : memref<3x8x512xf32, #tpu.memory_space<hbm>>) dst(%arg11 : memref<3x8x512xf32, #tpu.memory_space<vmem>>)
    %dma_start3A_54 = arith.constant 0 : i32
    %dma_start3A_55 = arith.constant 0 : i32
    %dma_start3A_56 = tpu.memref_slice %arg7[%dma_start3A_54, %dma_start3A_55, %mul3A_2] : memref<3x8x32768xf32, #tpu.memory_space<hbm>> -> memref<3x8x512xf32, #tpu.memory_space<hbm>>
    %dma_start3A_57 = arith.constant 0 : i32
    %dma_start3A_58 = arith.constant 0 : i32
    %dma_start3A_59 = tpu.memref_slice %arg7[%dma_start3A_57, %dma_start3A_58, %mul3A_2] : memref<3x8x32768xf32, #tpu.memory_space<hbm>> -> memref<3x8x512xf32, #tpu.memory_space<hbm>>
    tpu.enqueue_dma source(%arg11 : memref<3x8x512xf32, #tpu.memory_space<vmem>>) target(%dma_start3A_59 : memref<3x8x512xf32, #tpu.memory_space<hbm>>) target_semaphore(%arg23 : memref<!tpu.dma_semaphore, #tpu.memory_space<semaphore_mem>>)
    %dma_wait3A_60 = arith.constant 0 : i32
    %dma_wait3A_61 = arith.constant 0 : i32
    %dma_wait3A_62 = tpu.memref_slice %arg3[%dma_wait3A_60, %dma_wait3A_61, %mul3A_2] : memref<3x8x16384xf32, #tpu.memory_space<hbm>> -> memref<3x8x512xf32, #tpu.memory_space<hbm>>
    %dma_wait3A_63 = arith.constant 0 : i32
    %dma_wait3A_64 = arith.constant 0 : i32
    %dma_wait3A_65 = tpu.memref_slice %arg3[%dma_wait3A_63, %dma_wait3A_64, %mul3A_2] : memref<3x8x16384xf32, #tpu.memory_space<hbm>> -> memref<3x8x512xf32, #tpu.memory_space<hbm>>
    tpu.wait_dma2 semaphore(%arg21 : memref<!tpu.dma_semaphore, #tpu.memory_space<semaphore_mem>>) src(%dma_wait3A_65 : memref<3x8x512xf32, #tpu.memory_space<hbm>>) dst(%arg12 : memref<3x8x512xf32, #tpu.memory_space<vmem>>)
    %dma_wait3A_66 = arith.constant 0 : i32
    %dma_wait3A_67 = arith.constant 0 : i32
    %dma_wait3A_68 = tpu.memref_slice %arg5[%dma_wait3A_66, %dma_wait3A_67, %add3A_19] : memref<3x8x32768xf32, #tpu.memory_space<hbm>> -> memref<3x8x512xf32, #tpu.memory_space<hbm>>
    %dma_wait3A_69 = arith.constant 0 : i32
    %dma_wait3A_70 = arith.constant 0 : i32
    %dma_wait3A_71 = tpu.memref_slice %arg5[%dma_wait3A_69, %dma_wait3A_70, %add3A_19] : memref<3x8x32768xf32, #tpu.memory_space<hbm>> -> memref<3x8x512xf32, #tpu.memory_space<hbm>>
    tpu.wait_dma2 semaphore(%arg22 : memref<!tpu.dma_semaphore, #tpu.memory_space<semaphore_mem>>) src(%dma_wait3A_71 : memref<3x8x512xf32, #tpu.memory_space<hbm>>) dst(%arg14 : memref<3x8x512xf32, #tpu.memory_space<vmem>>)
    %scan3A_72 = arith.constant 0 : i32
    %scan3A_73 = arith.constant 0 : i32
    %scan3A_74 = arith.constant 256 : i32
    %scan3A_75 = arith.addi %scan3A_73, %scan3A_74 : i32
    %scan3A_76 = arith.constant 1 : i32
    scf.for %scan3A_122 = %scan3A_73 to %scan3A_75 step %scan3A_76  : i32 {
      %jit3A = arith.constant 32 : i32
      %div3A = arith.divsi %scan3A_122, %jit3A : i32
      %sign3A = arith.constant 0 : i32
      %sign3A_123 = arith.cmpi sgt, %scan3A_122, %sign3A : i32
      %sign3A_124 = arith.extui %sign3A_123 : i1 to i32
      %sign3A_125 = arith.constant 0 : i32
      %sign3A_126 = arith.cmpi slt, %scan3A_122, %sign3A_125 : i32
      %sign3A_127 = arith.extui %sign3A_126 : i1 to i32
      %sign3A_128 = arith.subi %sign3A_124, %sign3A_127 : i32
      %sign3A_129 = arith.constant 0 : i32
      %sign3A_130 = arith.cmpi sgt, %jit3A, %sign3A_129 : i32
      %sign3A_131 = arith.extui %sign3A_130 : i1 to i32
      %sign3A_132 = arith.constant 0 : i32
      %sign3A_133 = arith.cmpi slt, %jit3A, %sign3A_132 : i32
      %sign3A_134 = arith.extui %sign3A_133 : i1 to i32
      %sign3A_135 = arith.subi %sign3A_131, %sign3A_134 : i32
      %ne3A = arith.cmpi ne, %sign3A_128, %sign3A_135 : i32
      %rem3A = arith.remsi %scan3A_122, %jit3A : i32
      %ne3A_136 = arith.constant 0 : i32
      %ne3A_137 = arith.cmpi ne, %rem3A, %ne3A_136 : i32
      %and3A = arith.andi %ne3A, %ne3A_137 : i1
      %sub3A = arith.constant 1 : i32
      %sub3A_138 = arith.subi %div3A, %sub3A : i32
      %select_n3A = arith.select %and3A, %sub3A_138, %div3A : i32
      %jit3A_139 = arith.constant 32 : i32
      %eq3A = arith.constant 0 : i32
      %eq3A_140 = arith.cmpi eq, %jit3A_139, %eq3A : i32
      %jit3A_141 = arith.constant 1 : i32
      %select_n3A_142 = arith.select %eq3A_140, %jit3A_141, %jit3A_139 : i32
      %rem3A_143 = arith.remsi %scan3A_122, %select_n3A_142 : i32
      %ne3A_144 = arith.constant 0 : i32
      %ne3A_145 = arith.cmpi ne, %rem3A_143, %ne3A_144 : i32
      %lt3A = arith.constant 0 : i32
      %lt3A_146 = arith.cmpi slt, %rem3A_143, %lt3A : i32
      %lt3A_147 = arith.constant 0 : i32
      %lt3A_148 = arith.cmpi slt, %select_n3A_142, %lt3A_147 : i32
      %ne3A_149 = arith.xori %lt3A_146, %lt3A_148 : i1
      %and3A_150 = arith.andi %ne3A_149, %ne3A_145 : i1
      %add3A_151 = arith.addi %rem3A_143, %select_n3A_142 : i32
      %select_n3A_152 = arith.select %and3A_150, %add3A_151, %rem3A_143 : i32
      %mul3A_153 = arith.constant 16 : i32
      %mul3A_154 = arith.muli %select_n3A_152, %mul3A_153 : i32
      %get3A = arith.index_cast %select_n3A : i32 to index
      %get3A_155 = arith.index_cast %mul3A_154 : i32 to index
      %get3A_156 = tpu.vector_load %arg16[%get3A, %get3A_155] {strides = array<i32>} : memref<8x512xf32, #tpu.memory_space<vmem>>, vector<16xf32>,
      %get3A_157 = arith.constant 0 : i32
      %get3A_158 = arith.index_cast %get3A_157 : i32 to index
      %get3A_159 = arith.index_cast %select_n3A : i32 to index
      %get3A_160 = arith.index_cast %mul3A_154 : i32 to index
      %get3A_161 = tpu.vector_load %arg11[%get3A_158, %get3A_159, %get3A_160] {strides = array<i32>} : memref<3x8x512xf32, #tpu.memory_space<vmem>>, vector<16xf32>,
      %get3A_162 = arith.constant 0 : i32
      %get3A_163 = arith.index_cast %get3A_162 : i32 to index
      %get3A_164 = arith.index_cast %select_n3A : i32 to index
      %get3A_165 = arith.index_cast %mul3A_154 : i32 to index
      %get3A_166 = tpu.vector_load %arg12[%get3A_163, %get3A_164, %get3A_165] {strides = array<i32>} : memref<3x8x512xf32, #tpu.memory_space<vmem>>, vector<16xf32>,
      %mul3A_167 = arith.mulf %get3A_166, %get3A_156 : vector<16xf32>
      %add3A_168 = arith.addf %get3A_161, %mul3A_167 : vector<16xf32>
      %swap3A = arith.constant 0 : i32
      %swap3A_169 = arith.index_cast %swap3A : i32 to index
      %swap3A_170 = arith.index_cast %select_n3A : i32 to index
      %swap3A_171 = arith.index_cast %mul3A_154 : i32 to index
      %swap3A_172 = tpu.vector_load %arg12[%swap3A_169, %swap3A_170, %swap3A_171] {strides = array<i32>} : memref<3x8x512xf32, #tpu.memory_space<vmem>>, vector<16xf32>,
      tpu.vector_store %arg12[%swap3A_169, %swap3A_170, %swap3A_171], %add3A_168 {strides = array<i32>} : memref<3x8x512xf32, #tpu.memory_space<vmem>>, vector<16xf32>,
      %get3A_173 = arith.constant 0 : i32
      %get3A_174 = arith.index_cast %get3A_173 : i32 to index
      %get3A_175 = arith.index_cast %select_n3A : i32 to index
      %get3A_176 = arith.index_cast %mul3A_154 : i32 to index
      %get3A_177 = tpu.vector_load %arg14[%get3A_174, %get3A_175, %get3A_176] {strides = array<i32>} : memref<3x8x512xf32, #tpu.memory_space<vmem>>, vector<16xf32>,
      %mul3A_178 = arith.mulf %get3A_177, %get3A_156 : vector<16xf32>
      %swap3A_179 = arith.constant 0 : i32
      %swap3A_180 = arith.index_cast %swap3A_179 : i32 to index
      %swap3A_181 = arith.index_cast %select_n3A : i32 to index
      %swap3A_182 = arith.index_cast %mul3A_154 : i32 to index
      %swap3A_183 = tpu.vector_load %arg14[%swap3A_180, %swap3A_181, %swap3A_182] {strides = array<i32>} : memref<3x8x512xf32, #tpu.memory_space<vmem>>, vector<16xf32>,
      tpu.vector_store %arg14[%swap3A_180, %swap3A_181, %swap3A_182], %mul3A_178 {strides = array<i32>} : memref<3x8x512xf32, #tpu.memory_space<vmem>>, vector<16xf32>,
      %get3A_184 = arith.constant 1 : i32
      %get3A_185 = arith.index_cast %get3A_184 : i32 to index
      %get3A_186 = arith.index_cast %select_n3A : i32 to index
      %get3A_187 = arith.index_cast %mul3A_154 : i32 to index
      %get3A_188 = tpu.vector_load %arg11[%get3A_185, %get3A_186, %get3A_187] {strides = array<i32>} : memref<3x8x512xf32, #tpu.memory_space<vmem>>, vector<16xf32>,
      %get3A_189 = arith.constant 1 : i32
      %get3A_190 = arith.index_cast %get3A_189 : i32 to index
      %get3A_191 = arith.index_cast %select_n3A : i32 to index
      %get3A_192 = arith.index_cast %mul3A_154 : i32 to index
      %get3A_193 = tpu.vector_load %arg12[%get3A_190, %get3A_191, %get3A_192] {strides = array<i32>} : memref<3x8x512xf32, #tpu.memory_space<vmem>>, vector<16xf32>,
      %mul3A_194 = arith.mulf %get3A_193, %get3A_156 : vector<16xf32>
      %add3A_195 = arith.addf %get3A_188, %mul3A_194 : vector<16xf32>
      %swap3A_196 = arith.constant 1 : i32
      %swap3A_197 = arith.index_cast %swap3A_196 : i32 to index
      %swap3A_198 = arith.index_cast %select_n3A : i32 to index
      %swap3A_199 = arith.index_cast %mul3A_154 : i32 to index
      %swap3A_200 = tpu.vector_load %arg12[%swap3A_197, %swap3A_198, %swap3A_199] {strides = array<i32>} : memref<3x8x512xf32, #tpu.memory_space<vmem>>, vector<16xf32>,
      tpu.vector_store %arg12[%swap3A_197, %swap3A_198, %swap3A_199], %add3A_195 {strides = array<i32>} : memref<3x8x512xf32, #tpu.memory_space<vmem>>, vector<16xf32>,
      %get3A_201 = arith.constant 1 : i32
      %get3A_202 = arith.index_cast %get3A_201 : i32 to index
      %get3A_203 = arith.index_cast %select_n3A : i32 to index
      %get3A_204 = arith.index_cast %mul3A_154 : i32 to index
      %get3A_205 = tpu.vector_load %arg14[%get3A_202, %get3A_203, %get3A_204] {strides = array<i32>} : memref<3x8x512xf32, #tpu.memory_space<vmem>>, vector<16xf32>,
      %mul3A_206 = arith.mulf %get3A_205, %get3A_156 : vector<16xf32>
      %swap3A_207 = arith.constant 1 : i32
      %swap3A_208 = arith.index_cast %swap3A_207 : i32 to index
      %swap3A_209 = arith.index_cast %select_n3A : i32 to index
      %swap3A_210 = arith.index_cast %mul3A_154 : i32 to index
      %swap3A_211 = tpu.vector_load %arg14[%swap3A_208, %swap3A_209, %swap3A_210] {strides = array<i32>} : memref<3x8x512xf32, #tpu.memory_space<vmem>>, vector<16xf32>,
      tpu.vector_store %arg14[%swap3A_208, %swap3A_209, %swap3A_210], %mul3A_206 {strides = array<i32>} : memref<3x8x512xf32, #tpu.memory_space<vmem>>, vector<16xf32>,
      %get3A_212 = arith.constant 2 : i32
      %get3A_213 = arith.index_cast %get3A_212 : i32 to index
      %get3A_214 = arith.index_cast %select_n3A : i32 to index
      %get3A_215 = arith.index_cast %mul3A_154 : i32 to index
      %get3A_216 = tpu.vector_load %arg11[%get3A_213, %get3A_214, %get3A_215] {strides = array<i32>} : memref<3x8x512xf32, #tpu.memory_space<vmem>>, vector<16xf32>,
      %get3A_217 = arith.constant 2 : i32
      %get3A_218 = arith.index_cast %get3A_217 : i32 to index
      %get3A_219 = arith.index_cast %select_n3A : i32 to index
      %get3A_220 = arith.index_cast %mul3A_154 : i32 to index
      %get3A_221 = tpu.vector_load %arg12[%get3A_218, %get3A_219, %get3A_220] {strides = array<i32>} : memref<3x8x512xf32, #tpu.memory_space<vmem>>, vector<16xf32>,
      %mul3A_222 = arith.mulf %get3A_221, %get3A_156 : vector<16xf32>
      %add3A_223 = arith.addf %get3A_216, %mul3A_222 : vector<16xf32>
      %swap3A_224 = arith.constant 2 : i32
      %swap3A_225 = arith.index_cast %swap3A_224 : i32 to index
      %swap3A_226 = arith.index_cast %select_n3A : i32 to index
      %swap3A_227 = arith.index_cast %mul3A_154 : i32 to index
      %swap3A_228 = tpu.vector_load %arg12[%swap3A_225, %swap3A_226, %swap3A_227] {strides = array<i32>} : memref<3x8x512xf32, #tpu.memory_space<vmem>>, vector<16xf32>,
      tpu.vector_store %arg12[%swap3A_225, %swap3A_226, %swap3A_227], %add3A_223 {strides = array<i32>} : memref<3x8x512xf32, #tpu.memory_space<vmem>>, vector<16xf32>,
      %get3A_229 = arith.constant 2 : i32
      %get3A_230 = arith.index_cast %get3A_229 : i32 to index
      %get3A_231 = arith.index_cast %select_n3A : i32 to index
      %get3A_232 = arith.index_cast %mul3A_154 : i32 to index
      %get3A_233 = tpu.vector_load %arg14[%get3A_230, %get3A_231, %get3A_232] {strides = array<i32>} : memref<3x8x512xf32, #tpu.memory_space<vmem>>, vector<16xf32>,
      %mul3A_234 = arith.mulf %get3A_233, %get3A_156 : vector<16xf32>
      %swap3A_235 = arith.constant 2 : i32
      %swap3A_236 = arith.index_cast %swap3A_235 : i32 to index
      %swap3A_237 = arith.index_cast %select_n3A : i32 to index
      %swap3A_238 = arith.index_cast %mul3A_154 : i32 to index
      %swap3A_239 = tpu.vector_load %arg14[%swap3A_236, %swap3A_237, %swap3A_238] {strides = array<i32>} : memref<3x8x512xf32, #tpu.memory_space<vmem>>, vector<16xf32>,
      tpu.vector_store %arg14[%swap3A_236, %swap3A_237, %swap3A_238], %mul3A_234 {strides = array<i32>} : memref<3x8x512xf32, #tpu.memory_space<vmem>>, vector<16xf32>,
    }
    %scan3A_77 = arith.constant 256 : i32
    %add3A_78 = arith.constant 16384 : i32
    %add3A_79 = arith.addi %add3A_78, %mul3A_2 : i32
    %dma_start3A_80 = arith.constant 0 : i32
    %dma_start3A_81 = arith.constant 0 : i32
    %dma_start3A_82 = tpu.memref_slice %arg7[%dma_start3A_80, %dma_start3A_81, %add3A_79] : memref<3x8x32768xf32, #tpu.memory_space<hbm>> -> memref<3x8x512xf32, #tpu.memory_space<hbm>>
    %dma_start3A_83 = arith.constant 0 : i32
    %dma_start3A_84 = arith.constant 0 : i32
    %dma_start3A_85 = tpu.memref_slice %arg7[%dma_start3A_83, %dma_start3A_84, %add3A_79] : memref<3x8x32768xf32, #tpu.memory_space<hbm>> -> memref<3x8x512xf32, #tpu.memory_space<hbm>>
    tpu.enqueue_dma source(%arg12 : memref<3x8x512xf32, #tpu.memory_space<vmem>>) target(%dma_start3A_85 : memref<3x8x512xf32, #tpu.memory_space<hbm>>) target_semaphore(%arg23 : memref<!tpu.dma_semaphore, #tpu.memory_space<semaphore_mem>>)
    %dma_start3A_86 = arith.constant 0 : i32
    %dma_start3A_87 = arith.constant 0 : i32
    %dma_start3A_88 = tpu.memref_slice %arg9[%dma_start3A_86, %dma_start3A_87, %mul3A_2] : memref<3x8x16384xf32, #tpu.memory_space<hbm>> -> memref<3x8x512xf32, #tpu.memory_space<hbm>>
    %dma_start3A_89 = arith.constant 0 : i32
    %dma_start3A_90 = arith.constant 0 : i32
    %dma_start3A_91 = tpu.memref_slice %arg9[%dma_start3A_89, %dma_start3A_90, %mul3A_2] : memref<3x8x16384xf32, #tpu.memory_space<hbm>> -> memref<3x8x512xf32, #tpu.memory_space<hbm>>
    tpu.enqueue_dma source(%arg14 : memref<3x8x512xf32, #tpu.memory_space<vmem>>) target(%dma_start3A_91 : memref<3x8x512xf32, #tpu.memory_space<hbm>>) target_semaphore(%arg23 : memref<!tpu.dma_semaphore, #tpu.memory_space<semaphore_mem>>)
    %dma_wait3A_92 = arith.constant 0 : i32
    %dma_wait3A_93 = tpu.memref_slice %arg8[%dma_wait3A_92, %mul3A_2] : memref<8x32768xi32, #tpu.memory_space<hbm>> -> memref<8x512xi32, #tpu.memory_space<hbm>>
    %dma_wait3A_94 = arith.constant 0 : i32
    %dma_wait3A_95 = tpu.memref_slice %arg8[%dma_wait3A_94, %mul3A_2] : memref<8x32768xi32, #tpu.memory_space<hbm>> -> memref<8x512xi32, #tpu.memory_space<hbm>>
    tpu.wait_dma2 semaphore(%arg23 : memref<!tpu.dma_semaphore, #tpu.memory_space<semaphore_mem>>) src(%arg13 : memref<8x512xi32, #tpu.memory_space<vmem>>) dst(%dma_wait3A_95 : memref<8x512xi32, #tpu.memory_space<hbm>>)
    %dma_wait3A_96 = arith.constant 0 : i32
    %dma_wait3A_97 = tpu.memref_slice %arg8[%dma_wait3A_96, %add3A_39] : memref<8x32768xi32, #tpu.memory_space<hbm>> -> memref<8x512xi32, #tpu.memory_space<hbm>>
    %dma_wait3A_98 = arith.constant 0 : i32
    %dma_wait3A_99 = tpu.memref_slice %arg8[%dma_wait3A_98, %add3A_39] : memref<8x32768xi32, #tpu.memory_space<hbm>> -> memref<8x512xi32, #tpu.memory_space<hbm>>
    tpu.wait_dma2 semaphore(%arg23 : memref<!tpu.dma_semaphore, #tpu.memory_space<semaphore_mem>>) src(%arg17 : memref<8x512xi32, #tpu.memory_space<vmem>>) dst(%dma_wait3A_99 : memref<8x512xi32, #tpu.memory_space<hbm>>)
    %dma_wait3A_100 = arith.constant 0 : i32
    %dma_wait3A_101 = tpu.memref_slice %arg10[%dma_wait3A_100, %mul3A_2] : memref<8x16384xi32, #tpu.memory_space<hbm>> -> memref<8x512xi32, #tpu.memory_space<hbm>>
    %dma_wait3A_102 = arith.constant 0 : i32
    %dma_wait3A_103 = tpu.memref_slice %arg10[%dma_wait3A_102, %mul3A_2] : memref<8x16384xi32, #tpu.memory_space<hbm>> -> memref<8x512xi32, #tpu.memory_space<hbm>>
    tpu.wait_dma2 semaphore(%arg23 : memref<!tpu.dma_semaphore, #tpu.memory_space<semaphore_mem>>) src(%arg18 : memref<8x512xi32, #tpu.memory_space<vmem>>) dst(%dma_wait3A_103 : memref<8x512xi32, #tpu.memory_space<hbm>>)
    %dma_wait3A_104 = arith.constant 0 : i32
    %dma_wait3A_105 = arith.constant 0 : i32
    %dma_wait3A_106 = tpu.memref_slice %arg7[%dma_wait3A_104, %dma_wait3A_105, %mul3A_2] : memref<3x8x32768xf32, #tpu.memory_space<hbm>> -> memref<3x8x512xf32, #tpu.memory_space<hbm>>
    %dma_wait3A_107 = arith.constant 0 : i32
    %dma_wait3A_108 = arith.constant 0 : i32
    %dma_wait3A_109 = tpu.memref_slice %arg7[%dma_wait3A_107, %dma_wait3A_108, %mul3A_2] : memref<3x8x32768xf32, #tpu.memory_space<hbm>> -> memref<3x8x512xf32, #tpu.memory_space<hbm>>
    tpu.wait_dma2 semaphore(%arg23 : memref<!tpu.dma_semaphore, #tpu.memory_space<semaphore_mem>>) src(%arg11 : memref<3x8x512xf32, #tpu.memory_space<vmem>>) dst(%dma_wait3A_109 : memref<3x8x512xf32, #tpu.memory_space<hbm>>)
    %dma_wait3A_110 = arith.constant 0 : i32
    %dma_wait3A_111 = arith.constant 0 : i32
    %dma_wait3A_112 = tpu.memref_slice %arg7[%dma_wait3A_110, %dma_wait3A_111, %add3A_79] : memref<3x8x32768xf32, #tpu.memory_space<hbm>> -> memref<3x8x512xf32, #tpu.memory_space<hbm>>
    %dma_wait3A_113 = arith.constant 0 : i32
    %dma_wait3A_114 = arith.constant 0 : i32
    %dma_wait3A_115 = tpu.memref_slice %arg7[%dma_wait3A_113, %dma_wait3A_114, %add3A_79] : memref<3x8x32768xf32, #tpu.memory_space<hbm>> -> memref<3x8x512xf32, #tpu.memory_space<hbm>>
    tpu.wait_dma2 semaphore(%arg23 : memref<!tpu.dma_semaphore, #tpu.memory_space<semaphore_mem>>) src(%arg12 : memref<3x8x512xf32, #tpu.memory_space<vmem>>) dst(%dma_wait3A_115 : memref<3x8x512xf32, #tpu.memory_space<hbm>>)
    %dma_wait3A_116 = arith.constant 0 : i32
    %dma_wait3A_117 = arith.constant 0 : i32
    %dma_wait3A_118 = tpu.memref_slice %arg9[%dma_wait3A_116, %dma_wait3A_117, %mul3A_2] : memref<3x8x16384xf32, #tpu.memory_space<hbm>> -> memref<3x8x512xf32, #tpu.memory_space<hbm>>
    %dma_wait3A_119 = arith.constant 0 : i32
    %dma_wait3A_120 = arith.constant 0 : i32
    %dma_wait3A_121 = tpu.memref_slice %arg9[%dma_wait3A_119, %dma_wait3A_120, %mul3A_2] : memref<3x8x16384xf32, #tpu.memory_space<hbm>> -> memref<3x8x512xf32, #tpu.memory_space<hbm>>
    tpu.wait_dma2 semaphore(%arg23 : memref<!tpu.dma_semaphore, #tpu.memory_space<semaphore_mem>>) src(%arg14 : memref<3x8x512xf32, #tpu.memory_space<vmem>>) dst(%dma_wait3A_121 : memref<3x8x512xf32, #tpu.memory_space<hbm>>)
    return
  }
}

</mosaic_0001>

<sc_bundles>
// kernel: kernel.3.cloned.1.call-start
scs
__scs_entry_jumppad:
0x0: {  	(pc) =	sbr.rel $0x88, $3  }
0x1: {  	(tag) =	ssettag $0x0;
	lr =	simm.s32 $0x1  }
0x2: {  	[smem:$0x3F9C] =	sst lr;
	_ =	strace $0xD0000000  }
0x3: {  	_ = 	snop  }
0x4: {  	_ = 	snop  }
0x5: {  	_ = 	snop  }
0x6: {  	_ = 	snop  }
0x7: {  	_ = 	snop  }
__scs_overlays_trampoline_lowered:
0x8: {  	[smem:$0x3FAB] =	sst s0  }
0x9: {  	[smem:$0x3FAC] =	sst s1  }
0xa: {  	[smem:$0x3FAD] =	sst s2  }
0xb: {  	[smem:$0x3FAE] =	sst s3  }
0xc: {  	[smem:$0x3FAF] =	sst s4  }
0xd: {  	[smem:$0x3FB0] =	sst s5  }
0xe: {  	[smem:$0x3FB1] =	sst s6  }
0xf: {  	[smem:$0x3FB2] =	sst s7  }
0x10: {  	[smem:$0x3FB3] =	sst s8  }
0x11: {  	[smem:$0x3FB4] =	sst s9;
	s0 =	simm.s32 @!p0 $0x0  }
0x12: {  	s1 =	sld [smem:$0x3F9A];
	s0 =	simm.s32 @p0 $0x1  }
0x13: {  	[smem:$0x3FB5] =	sst s0;
	s0 =	simm.s32 @!p1 $0x0  }
0x14: {  	s2 =	sld [smem:$0x3F99];
	s0 =	simm.s32 @p1 $0x1  }
0x15: {  	[smem:$0x3FB6] =	sst s0;
	s0 =	simm.s32 @!p2 $0x0  }
0x16: {  	s3 =	sld [smem:$0x3FDB];
	s0 =	simm.s32 @p2 $0x1  }
0x17: {  	s4 =	simm.s32 $0x1BF5;
	[smem:$0x3FB8] =	sst s0  }
0x18: {  	s0 =	sld [smem:$0x3F9B];
	_ =	swait.ge [sflag:s4], $0x0  }
0x19: {  	s7 =	sld [smem:$0x3F9C]  }
0x1a: {  	s8 =	sadd.s32 $0xFFFFE003, lr  }
0x1b: {  	s9 =	sadd.s32 $0xFFFFFEF7, lr;
	s5 =	simm.s32 $0xFFFFFFFF;
	p2 =	slt.u32 s8, $0xFFFFF086  }
0x1c: {  	p1 =	slt.u32 s9, $0xF7A;
	s5 =	simm.s32 @!p2 $0x0  }
0x1d: {  	s5 =	simm.s32 @p1 $0x1;
	p0 =	seq.s32 s7, s2  }
0x1e: {  	s7 =	smul.u32 @!p0 $0xF7A, s2;
	p2 =	seq.s32 @!p0 s5, $0x0  }
0x1f: {  	s9 =	smul.u32 $0xF7A, s1;
	s8 =	simm.s32 @!p0 $0x1BF5;
	p2 =	por !p2, p0  }
0x20: {  	[sflag:s8] =	ssyncset.s32 @!p0 $0xFFFFF086;
	s6 =	sadd.s32 @!p0 s3, s7;
	s7 =	simm.s32 @!p0 $0x108  }
0x21: {  	s3 =	sadd.s32 s3, s9;
	s6 =	sadd.s32 @!p0 $0x88, s6;
	s7 =	simm.s32 @p2 $0x1082  }
0x22: {  	[simem:s7], [sflag:s8] =	dma.local @!p0 [hbm:s6], $0xF7A  }
0x23: {  	s9 =	sor.u32 $0xD0000000, s2;
	s6 =	simm.s32 $0x108;
	_ =	swait.ge @!p0 [sflag:s8], $0x0  }
0x24: {  	s3 =	sadd.s32 $0x88, s3;
	s6 =	simm.s32 @!p1 $0x1082;
	[sflag:s4] =	ssyncset.s32 $0xFFFFF086  }
0x25: {  	[simem:s6], [sflag:s4] =	dma.local [hbm:s3], $0xF7A  }
0x26: {  	[smem:$0x3F9C] =	sst s1;
	(tag) =	ssettag s2;
	_ =	strace s9  }
0x27: {  	s1 =	sld [smem:$0x3FAC]  }
0x28: {  	s2 =	sld [smem:$0x3FAD]  }
0x29: {  	s4 =	sld [smem:$0x3FAF]  }
0x2a: {  	p0 =	seq.s32 s5, $0x0;
	s5 =	sld [smem:$0x3FB0]  }
0x2b: {  	s6 =	sld [smem:$0x3FB1]  }
0x2c: {  	s7 =	sld [smem:$0x3FB2]  }
0x2d: {  	s3 =	simm.s32 $0x108;
	s8 =	sld [smem:$0x3FB3]  }
0x2e: {  	s3 =	simm.s32 @!p0 $0x1082;
	s9 =	sld [smem:$0x3FB4]  }
0x2f: {  	lr =	sadd.s32 s0, s3;
	s0 =	sld [smem:$0x3FAB]  }
0x30: {  	s3 =	sld [smem:$0x3FAE]  }
0x31: {  	[smem:$0x3FB7] =	sst s10  }
0x32: {  	s10 =	sld [smem:$0x3FB5];
	_ =	sdelay $0x3  }
0x33: {  	p0 =	seq.s32 s10, $0x1;
	s10 =	sld [smem:$0x3FB7];
	_ =	sdelay $0x3  }
0x34: {  	[smem:$0x3FB7] =	sst s10  }
0x35: {  	s10 =	sld [smem:$0x3FB6];
	_ =	sdelay $0x3  }
0x36: {  	p1 =	seq.s32 s10, $0x1;
	s10 =	sld [smem:$0x3FB7];
	_ =	sdelay $0x3  }
0x37: {  	[smem:$0x3FB7] =	sst s10  }
0x38: {  	s10 =	sld [smem:$0x3FB8]  }
0x39: {  	_ = 	snop;
	(pc) =	sbr.ind lr, $3  }
0x3a: {  	_ = 	snop  }
0x3b: {  	_ = 	snop  }
0x3c: {  	p2 =	seq.s32 s10, $0x1;
	s10 =	sld [smem:$0x3FB7]  }
0x3d: {  	_ =	shalt  }
0x3e: {  	_ =	shalt  }
0x3f: {  	_ =	shalt  }
0x40: {  	_ =	shalt  }
0x41: {  	_ =	shalt  }
0x42: {  	_ =	shalt  }
0x43: {  	_ =	shalt  }
0x44: {  	_ =	shalt  }
0x45: {  	_ =	shalt  }
0x46: {  	_ =	shalt  }
0x47: {  	_ =	shalt  }
0x48: {  	_ =	shalt  }
0x49: {  	_ =	shalt  }
0x4a: {  	_ =	shalt  }
0x4b: {  	_ =	shalt  }
0x4c: {  	_ =	shalt  }
0x4d: {  	_ =	shalt  }
0x4e: {  	_ =	shalt  }
0x4f: {  	_ =	shalt  }
0x50: {  	_ =	shalt  }
0x51: {  	_ =	shalt  }
0x52: {  	_ =	shalt  }
0x53: {  	_ =	shalt  }
0x54: {  	_ =	shalt  }
0x55: {  	_ =	shalt  }
0x56: {  	_ =	shalt  }
0x57: {  	_ =	shalt  }
0x58: {  	_ =	shalt  }
0x59: {  	_ =	shalt  }
0x5a: {  	_ =	shalt  }
0x5b: {  	_ =	shalt  }
0x5c: {  	_ =	shalt  }
0x5d: {  	_ =	shalt  }
0x5e: {  	_ =	shalt  }
0x5f: {  	_ =	shalt  }
0x60: {  	_ =	shalt  }
0x61: {  	_ =	shalt  }
0x62: {  	_ =	shalt  }
0x63: {  	_ =	shalt  }
0x64: {  	_ =	shalt  }
0x65: {  	_ =	shalt  }
0x66: {  	_ =	shalt  }
0x67: {  	_ =	shalt  }
0x68: {  	_ =	shalt  }
0x69: {  	_ =	shalt  }
0x6a: {  	_ =	shalt  }
0x6b: {  	_ =	shalt  }
0x6c: {  	_ =	shalt  }
0x6d: {  	_ =	shalt  }
0x6e: {  	_ =	shalt  }
0x6f: {  	_ =	shalt  }
0x70: {  	_ =	shalt  }
0x71: {  	_ =	shalt  }
0x72: {  	_ =	shalt  }
0x73: {  	_ =	shalt  }
0x74: {  	_ =	shalt  }
0x75: {  	_ =	shalt  }
0x76: {  	_ =	shalt  }
0x77: {  	_ =	shalt  }
0x78: {  	_ =	shalt  }
0x79: {  	_ =	shalt  }
0x7a: {  	_ =	shalt  }
0x7b: {  	_ =	shalt  }
0x7c: {  	_ =	shalt  }
0x7d: {  	_ =	shalt  }
0x7e: {  	_ =	shalt  }
0x7f: {  	_ =	shalt  }
0x80: {  	_ =	shalt  }
0x81: {  	_ =	shalt  }
0x82: {  	_ =	shalt  }
0x83: {  	_ =	shalt  }
0x84: {  	_ =	shalt  }
0x85: {  	_ =	shalt  }
0x86: {  	_ =	shalt  }
0x87: {  	_ =	shalt  }
.Lfunc_end0:
.L_simem_size_0:
called_computation_lowered:
.L_overlay_start_0:
0x88: {  	s2 =	sld [smem:$0x3FD9]  }
0x89: {  	s3 =	sld [smem:$0x3FFE];
	_ =	sdelay $0x1  }
0x8a: {  	s1 =	srdreg.scid  }
0x8b: {  	s0 =	sand.u32 $0x1, s1  }
0x8c: {  	s14 =	sshll.u32 s0, $0xA;
	s2 =	sadd.s32 s3, s2  }
0x8d: {  	s2 =	sadd.s32 s2, s14  }
0x8e: {  	[smem:$0x3FC3] =	sst s2  }
0x8f: {  	_ = 	snop  }
0x90: {  	s2 =	sld [smem:$0x3FC9]  }
0x91: {  	s15 =	sld [smem:$0x3FC8]  }
0x92: {  	s4 =	sld [smem:$0x3FD0]  }
0x93: {  	s5 =	sld [smem:$0x3FC7]  }
0x94: {  	s6 =	sld [smem:$0x3FC6]  }
0x95: {  	s8 =	simm.s32 $0xA;
	s9 =	simm.s32 $0x10;
	s7 =	sld [smem:$0x3FC5]  }
0x96: {  	[smem:s9], [sflag:s8] =	dma.local [hbm:s4], $0x1  }
0x97: {  	_ =	swait.eq [sflag:s8], $0x1  }
0x98: {  	s16 =	sld [smem:$0x10];
	[sflag:s8] =	ssyncset.done $0x0  }
0x99: {  	s17 =	sld [smem:$0x11];
	[sflag:s8] =	ssyncadd.s32 $0xFFFFFFFF  }
0x9a: {  	s18 =	sld [smem:$0x13];
	(tm) =	ssettm $0x1  }
0x9b: {  	s10 =	sld [smem:$0x3FFB];
	_ =	sdelay $0x3  }
0x9c: {  	_ =	strace s10  }
0x9d: {  	s10 =	sld [smem:$0x3FFC];
	_ =	sdelay $0x3  }
0x9e: {  	_ =	strace s10  }
0x9f: {  	s10 =	sld [smem:$0x3FFD];
	_ =	sdelay $0x3  }
0xa0: {  	_ =	strace s10  }
0xa1: {  	_ =	strace $0x8FFFFFFF  }
0xa2: {  	s19 =	sld [smem:$0x3FDB];
	_ =	sdelay $0x1  }
0xa3: {  	s11 =	simm.s32 $_scs_section_size  }
0xa4: {  	s12 =	simm.s32 $_size__tile_overlayer_lowered;
	s13 =	simm.s32 $_tile_overlayer_lowered  }
0xa5: {  	s22 =	simm.s32 $0x1BFF;
	s21 =	sshll.u32 s13, $0x1;
	s10 =	sadd.s32 s11, s19  }
0xa6: {  	s20 =	sshll.u32 s12, $0x1;
	s14 =	simm.s32 $0x0;
	s12 =	sadd.s32 s21, s10  }
0xa7: {  	[timem:s14], [sflag:s22] =	dma.local [hbm:s12], s20  }
0xa8: {  	_ =	swait.ge [sflag:s22], s20  }
0xa9: {  	s11 =	ssub.s32 $0x0, s20;
	[sflag:s22] =	ssyncset.done $0x0  }
0xaa: {  	[sflag:s22] =	ssyncadd.s32 s11;
	_ =	sdelay $0x1  }
0xab: {  	s23 =	simm.s32 $0x1B8B  }
0xac: {  	_ =	swait.ge [sflag:s23], $0x1  }
0xad: {  	[sflag:s23] =	ssyncset.done $0x0  }
0xae: {  	s25 =	simm.s32 $0x1B8E;
	s24 =	sld [smem:$0x3FFE];
	[sflag:s23] =	ssyncadd.s32 $0xFFFFFFFF  }
0xaf: {  	s26 =	simm.s32 $execute0_lowered;
	[smem:$0x3FD2] =	sst s25  }
0xb0: {  	s12 =	sshll.u32 s26, $0x1;
	_ =	strace $0x80000046;
	[dreg:$0x1] =	wrdreg $0xFFFFFFFF  }
0xb1: {  	s28 =	simm.s32 $_size_execute0_lowered;
	s10 =	sadd.s32 s10, s12;
	[dreg:$0x0] =	wrdreg $0x0  }
0xb2: {  	s12 =	sshll.u32 s28, $0x1;
	[dreg:$0x2] =	wrdreg s10  }
0xb3: {  	[dreg:$0x3] =	wrdreg s12  }
0xb4: {  	[dreg:$0x4] =	wrdreg $0xC0  }
0xb5: {  	_ =	task [dreg:s14], $0x5FFFF  }
0xb6: {  	[dreg:$0x1] =	wrdreg $0xFFFFFFFF  }
0xb7: {  	[dreg:$0x0] =	wrdreg $0x60  }
0xb8: {  	[dreg:$0x2] =	wrdreg s2  }
0xb9: {  	[dreg:$0x3] =	wrdreg s5  }
0xba: {  	[dreg:$0x4] =	wrdreg s15  }
0xbb: {  	[dreg:$0x5] =	wrdreg s6  }
0xbc: {  	[dreg:$0x6] =	wrdreg s7  }
0xbd: {  	[dreg:$0x7] =	wrdreg s16  }
0xbe: {  	[dreg:$0x8] =	wrdreg s17  }
0xbf: {  	[dreg:$0x9] =	wrdreg s18  }
0xc0: {  	[dreg:$0xa] =	wrdreg s24  }
0xc1: {  	[dreg:$0xb] =	wrdreg $0x9  }
0xc2: {  	_ =	task.clear_ibuf [dreg:s14], $0xCFFFF;
	_ =	strace $0x90000046  }
0xc3: {  	s29 =	simm.s32 $0x9;
	_ =	strace $0x80000048  }
0xc4: {  	_ =	swait.ge [sflag:s29], $0x1  }
0xc5: {  	[sflag:s29] =	ssyncadd.s32 $0xFFFFFFFF  }
0xc6: {  	_ =	strace $0x90000048  }
0xc7: {  	_ =	sfence  }
0xc8: {  	s30 =	sld [smem:$0x0];
	_ =	sdelay $0x2  }
0xc9: {  	s31 =	sshll.u32 s1, $0xD;
	s1 =	sshrl.u32 s1, $0x2  }
0xca: {  	s3 =	sand.u32 $0x4000, s31;
	s1 =	sadd.s32 s1, s30  }
0xcb: {  	s0 =	sor.u32 s3, s0;
	s1 =	sshll.u32 s1, $0x11  }
0xcc: {  	s0 =	sor.u32 s1, s0  }
0xcd: {  	s0 =	sadd.s32 $0x8F2B, s0  }
0xce: {  	[sflag:s0] =	ssyncadd.remote.s32 $0x1  }
0xcf: {  	_ =	sfence.sel $0xFFFF  }
0xd0: {  	[dreg:$0x0] =	wrdreg $0xFFFFFFFF;
	(pc) =	sbr.abs _section_cstart, $3  }
0xd1: {  	[dreg:$0x1] =	wrdreg $0xFFFFFFFF  }
0xd2: {  	_ =	task.clear_ibuf [dreg:s14], $0x2FFFF;
	_ =	strace $0x9FFFFFFF  }
0xd3: {  	(tm) =	ssettm $0x7FFFFFFF  }
tec
execute0_lowered:
.L_overlay_start_1:
0x0: {  	(tag) =	ssettag $0x1  }
0x1: {  	s0 =	rddreg [dreg:$0x0]  }
0x2: {  	s1 =	rddreg [dreg:$0x1]  }
0x3: {  	s2 =	rddreg [dreg:$0x2]  }
0x4: {  	s4 =	rddreg [dreg:$0x3]  }
0x5: {  	s5 =	rddreg [dreg:$0x5]  }
0x6: {  	s9 =	rddreg [dreg:$0x6]  }
0x7: {  	s13 =	rddreg [dreg:$0x7]  }
0x8: {  	s6 =	rddreg [dreg:$0x8]  }
0x9: {  	s3 =	simm.s32 $0x0;
	s7 =	srdreg.scid;
	s10 =	stileid.u32  }
0xa: {  	s16 =	simm.s32 $0x1000;
	s17 =	simm.s32 $0x20000;
	s18 =	simm.s32 $0x3000  }
0xb: {  	s19 =	simm.s32 $0x40000;
	s20 =	simm.s32 $0x7000;
	s21 =	simm.s32 $0xA000  }
0xc: {  	s22 =	simm.s32 $0x6;
	s23 =	simm.s32 $0x1;
	s28 =	simm.s32 $0x3  }
0xd: {  	s29 =	simm.s32 $0x4;
	s30 =	simm.s32 $0x5;
	s7 =	sand.u32 $0x1, s7  }
0xe: {  	s31 =	simm.s32 $0x0;
	s10 =	sshll.u32 s10, $0x9;
	s8 =	sshll.u32 s7, $0xD  }
0xf: {  	[smem:$0x7FF] =	sst s3;
	s7 =	ssub.s32 $0x2, s7;
	s14 =	sor.u32 s10, s8  }
0x10: {  	_ =	strace $0x80000047;
	s24 =	sshrl.u32 s7, $0x1;
	s10 =	sadd.s32 s14, s6  }
0x11: {  	s15 =	ssub.s32 s7, s24;
	s2 =	sadd.s32 s2, s14;
	s0 =	sadd.s32 s0, s14  }
0x12: {  	s25 =	sadd.s32 s1, s14;
	s26 =	sor.u32 $0x4000, s14;
	[dreg:$0xa] =	wrdreg s2  }
0x13: {  	s8 =	sadd.s32 s9, s14;
	s11 =	sadd.s32 s5, s14;
	[dreg:$0xb] =	wrdreg s0  }
0x14: {  	s13 =	sadd.s32 s13, s14;
	[dreg:$0xc] =	wrdreg s25;
	s7 =	sadd.s32 s4, s26  }
0x15: {  	s9 =	sadd.s32 s9, s26;
	s10 =	sadd.s32 $0xA00, s10;
	s12 =	sadd.s32 s5, s26  }
0x16: {  	v0 =	vimm.s32 $0x0;
	s14 =	smax.u32 s15, $0x1;
	s15 =	simm.s32 $0x6000;
	s26 =	simm.s32 $0x2  }
.LBB2_1:
0x17: {  	s0 =	rddreg [dreg:$0xa]  }
0x18: {  	[tilespmem:s15], [sflag:$0x1] =	stream.linear.gather [hbm4b:s0+s3], $0x1000, $0x38;
	[tilespmem:$0xD080] =	vst v63  }
0x19: {  	s2 =	rddreg [dreg:$0xb]  }
0x1a: {  	[tilespmem:s3], [sflag:$0x2] =	stream.strided.gather [hbm4b:s2+s16], $0x3000, s17, s16, $0x38;
	[tilespmem:$0xD080] =	vst v63  }
0x1b: {  	s4 =	rddreg [dreg:$0xc]  }
0x1c: {  	[tilespmem:s18], [sflag:$0x3] =	stream.strided.gather [hbm4b:s4+s16], $0x3000, s17, s16, $0x38;
	[tilespmem:$0xD080] =	vst v63  }
0x1d: {  	_ = 	snop  }
0x1e: {  	[tilespmem:s20], [sflag:$0x4] =	stream.strided.gather [hbm4b:s7+s16], $0x3000, s19, s16, $0x38;
	[tilespmem:$0xD080] =	vst v63  }
0x1f: {  	s5 =	rddreg [dreg:$0x4]  }
0x20: {  	[tilespmem:s21], [sflag:$0x6] =	stream.linear.gather [hbm4b:s5+s3], $0x80, $0x38;
	[tilespmem:$0xD080] =	vst v63  }
0x21: {  	_ =	swait.ge [sflag:s22], $0x80  }
0x22: {  	[sflag:s22] =	ssyncset.done $0x0  }
0x23: {  	[sflag:s22] =	ssyncadd.s32 $0xFFFFFF80  }
0x24: {  	s6 =	sand.u32 $0xC00, s3;
	s1 =	sand.u32 $0x380, s3;
	_ =	swait.ge [sflag:s23], $0x1000  }
0x25: {  	s0 =	sor.u32 s1, s6;
	s2 =	sand.u32 $0x70, s3;
	[sflag:s23] =	ssyncset.done $0x0  }
0x26: {  	s1 =	sor.u32 s2, s0;
	[sflag:s23] =	ssyncadd.s32 $0xFFFFF000  }
0x27: {  	v1 =	vld [tilespmem:s1+$0x6000];
	_ =	sdelay $0x5  }
0x28: {  	s24 =	simm.s32 $0x4;
	s25 =	simm.s32 $0x80  }
0x29: {  	s2 =	sand.u32 $0xC00, s25;
	s0 =	sand.u32 $0x380, s24;
	s4 =	simm.s32 $0x10  }
0x2a: {  	s0 =	sor.u32 s0, s2;
	s4 =	sand.u32 $0x70, s4;
	v2 =	vld.idx.msk [tilespmem:v1+s21+$0x0], $0xffff;
	v1 =	vadd.s32 $0x8, v1  }
0x2b: {  	s0 =	sor.u32 s4, s0;
	[tilespmem:s1+$0xB080] =	vst v1  }
0x2c: {  	v1 =	vld [tilespmem:s0+$0x6000];
	_ =	sdelay $0x2  }
0x2d: {  	s24 =	simm.s32 $0x100;
	s25 =	simm.s32 $0xC;
	s5 =	simm.s32 $0x8;
	vm0 =	vgt.f32 v2, $0.0e+00  }
0x2e: {  	s2 =	simm.s32 $0x20;
	s4 =	sand.u32 $0xC00, s24;
	s5 =	sand.u32 $0x380, s5;
	[tilespmem:s1+$0xA080] =	vst v2;
	v2 =	vsel vm0, $0x1, v0  }
.LBB2_2:
0x2f: {  	p0 =	sne.s32 s25, $0x3FC;
	s6 =	sand.u32 $0x70, s2;
	s4 =	sor.u32 s5, s4;
	v3 =	vadd.s32 $0x8, v1;
	[tilespmem:s1+$0xC080] =	vst v2  }
0x30: {  	s1 =	smov.u32 s0;
	v2 =	vld.idx.msk [tilespmem:v1+s21+$0x0], $0xffff;
	[tilespmem:s0+$0xB080] =	vst v3;
	s0 =	sor.u32 s6, s4  }
0x31: {  	v1 =	vld [tilespmem:s0+$0x6000];
	_ =	sdelay $0x1  }
.Ltmp0:
0x32: {  	(pc) =	sbr.rel @p0 .LBB2_2-.Ltmp0, $3  }
0x33: {  	_ =	sdelay $0x1  }
0x34: {  	s2 =	sadd.s32 $0x10, s2;
	s24 =	sadd.s32 $0x80, s24;
	vm0 =	vgt.f32 v2, $0.0e+00;
	[tilespmem:s1+$0xA080] =	vst v2  }
0x35: {  	s5 =	sand.u32 $0x380, s25;
	s25 =	sadd.s32 $0x4, s25;
	s4 =	sand.u32 $0xC00, s24;
	v2 =	vsel vm0, $0x1, v0  }
0x36: {  	_ =	sdelay $0x2  }
0x37: {  	[tilespmem:s1+$0xC080] =	vst v2;
	s2 =	sand.u32 $0x70, s2;
	s5 =	sor.u32 s5, s4;
	v2 =	vadd.s32 $0x8, v1  }
0x38: {  	v1 =	vld.idx.msk [tilespmem:v1+s21+$0x0], $0xffff;
	s1 =	sor.u32 s2, s5;
	[tilespmem:s0+$0xB080] =	vst v2  }
0x39: {  	v2 =	vld [tilespmem:s1+$0x6000];
	_ =	sdelay $0x4  }
0x3a: {  	vm0 =	vgt.f32 v1, $0.0e+00  }
0x3b: {  	[tilespmem:s0+$0xA080] =	vst v1;
	v1 =	vsel vm0, $0x1, v0  }
0x3c: {  	[tilespmem:s0+$0xC080] =	vst v1  }
0x3d: {  	v1 =	vld.idx.msk [tilespmem:v2+s21+$0x0], $0xffff;
	_ =	sdelay $0x3  }
0x3e: {  	v2 =	vadd.s32 $0x8, v2  }
0x3f: {  	[tilespmem:s1+$0xB080] =	vst v2;
	vm15 =	vgt.f32 v1, $0.0e+00  }
0x40: {  	[tilespmem:s1+$0xA080] =	vst v1;
	v1 =	vsel vm15, $0x1, v0  }
0x41: {  	s6 =	simm.s32 $0x0;
	[tilespmem:s1+$0xC080] =	vst v1  }
0x42: {  	[hbm4b:s8+s6] =	stream.linear.scatter [tilespmem:s15], [sflag:$0x5], $0x1000, $0x38;
	[tilespmem:$0xD080] =	vst v63  }
0x43: {  	s24 =	simm.s32 $0xB080  }
0x44: {  	[hbm4b:s9+s6] =	stream.linear.scatter [tilespmem:s24], [sflag:$0x5], $0x1000, $0x38;
	[tilespmem:$0xD080] =	vst v63  }
0x45: {  	s25 =	simm.s32 $0xC080  }
0x46: {  	[hbm4b:s10+s6] =	stream.linear.scatter [tilespmem:s25], [sflag:$0x5], $0x1000, $0x38;
	[tilespmem:$0xD080] =	vst v63  }
0x47: {  	_ =	swait.ge [sflag:s26], $0x3000  }
0x48: {  	[sflag:s26] =	ssyncset.done $0x0  }
0x49: {  	[sflag:s26] =	ssyncadd.s32 $0xFFFFD000  }
0x4a: {  	[hbm4b:s11+s16] =	stream.strided.scatter [tilespmem:s6], [sflag:$0x5], $0x3000, s19, s16, $0x38;
	[tilespmem:$0xD080] =	vst v63  }
0x4b: {  	_ =	swait.ge [sflag:s28], $0x3000  }
0x4c: {  	[sflag:s28] =	ssyncset.done $0x0  }
0x4d: {  	[sflag:s28] =	ssyncadd.s32 $0xFFFFD000  }
0x4e: {  	s2 =	sand.u32 $0xC00, s6;
	s4 =	sand.u32 $0x380, s6;
	_ =	swait.ge [sflag:s29], $0x3000  }
0x4f: {  	s0 =	sand.u32 $0x70, s6;
	s1 =	sor.u32 s4, s2;
	[sflag:s29] =	ssyncset.done $0x0  }
0x50: {  	s0 =	sor.u32 s0, s1;
	[sflag:s29] =	ssyncadd.s32 $0xFFFFD000  }
0x51: {  	v4 =	vld [tilespmem:s0+$0x0]  }
0x52: {  	v5 =	vld [tilespmem:s0+$0xA080]  }
0x53: {  	v1 =	vld [tilespmem:s0+$0x7000]  }
0x54: {  	v3 =	vld [tilespmem:s0+$0x8000]  }
0x55: {  	v6 =	vld [tilespmem:s0+$0x9000]  }
0x56: {  	v7 =	vld [tilespmem:s0+$0x3000]  }
0x57: {  	s5 =	simm.s32 $0x4;
	s1 =	simm.s32 $0x80;
	v8 =	vld [tilespmem:s0+$0x4000]  }
0x58: {  	s2 =	sand.u32 $0x380, s5;
	s24 =	simm.s32 $0x10;
	s6 =	sand.u32 $0xC00, s1;
	v9 =	vld [tilespmem:s0+$0x5000]  }
0x59: {  	s25 =	sand.u32 $0x70, s24;
	s2 =	sor.u32 s2, s6;
	v10 =	vld [tilespmem:s0+$0x1000]  }
0x5a: {  	s2 =	sor.u32 s25, s2;
	v11 =	vld [tilespmem:s0+$0x2000];
	v12 =	vmul.f32 v1, v5  }
0x5b: {  	v2 =	vld [tilespmem:s2+$0x0];
	v13 =	vmul.f32 v3, v5;
	v7 =	vmul.f32 v7, v5  }
0x5c: {  	v1 =	vld [tilespmem:s2+$0xA080];
	v6 =	vmul.f32 v6, v5;
	v8 =	vmul.f32 v8, v5;
	[tilespmem:s0+$0x7000] =	vst v12  }
0x5d: {  	v9 =	vmul.f32 v9, v5;
	[tilespmem:s0+$0x8000] =	vst v13;
	v7 =	vadd.f32 v7, v4;
	v3 =	vld [tilespmem:s2+$0x7000]  }
0x5e: {  	[tilespmem:s0+$0x9000] =	vst v6;
	v6 =	vadd.f32 v8, v10;
	v5 =	vld [tilespmem:s2+$0x8000]  }
0x5f: {  	s25 =	simm.s32 $0x8;
	v4 =	vld [tilespmem:s2+$0x9000];
	[tilespmem:s0+$0x3000] =	vst v7;
	v7 =	vadd.f32 v9, v11  }
.LBB2_4:
0x60: {  	p0 =	sne.s32 s25, $0x3FC;
	v8 =	vld [tilespmem:s2+$0x3000];
	[tilespmem:s0+$0x4000] =	vst v6;
	v6 =	vmov v2  }
0x61: {  	s1 =	sadd.s32 $0x80, s1;
	v9 =	vld [tilespmem:s2+$0x4000];
	[tilespmem:s0+$0x5000] =	vst v7;
	v7 =	vmov v1;
	s0 =	smov.u32 s2  }
0x62: {  	s4 =	sand.u32 $0x380, s25;
	s24 =	sadd.s32 $0x10, s24;
	s2 =	sand.u32 $0xC00, s1;
	v10 =	vld [tilespmem:s0+$0x5000]  }
0x63: {  	s5 =	sand.u32 $0x70, s24;
	s2 =	sor.u32 s4, s2;
	v11 =	vld [tilespmem:s0+$0x1000]  }
0x64: {  	v3 =	vmul.f32 v3, v7;
	s2 =	sor.u32 s5, s2;
	v12 =	vld [tilespmem:s0+$0x2000]  }
.Ltmp1:
0x65: {  	v5 =	vmul.f32 v5, v7;
	v2 =	vld [tilespmem:s2+$0x0];
	v8 =	vmul.f32 v8, v7;
	(pc) =	sbr.rel @p0 .LBB2_4-.Ltmp1, $4  }
0x66: {  	v4 =	vmul.f32 v4, v7;
	v1 =	vld [tilespmem:s2+$0xA080];
	[tilespmem:s0+$0x7000] =	vst v3;
	v9 =	vmul.f32 v9, v7  }
0x67: {  	v3 =	vld [tilespmem:s2+$0x7000];
	v8 =	vadd.f32 v8, v6;
	[tilespmem:s0+$0x8000] =	vst v5;
	v7 =	vmul.f32 v10, v7  }
0x68: {  	v5 =	vld [tilespmem:s2+$0x8000];
	v6 =	vadd.f32 v9, v11;
	[tilespmem:s0+$0x9000] =	vst v4  }
0x69: {  	s25 =	sadd.s32 $0x4, s25;
	v4 =	vld [tilespmem:s2+$0x9000];
	[tilespmem:s0+$0x3000] =	vst v8;
	v7 =	vadd.f32 v7, v12  }
0x6a: {  	v8 =	vld [tilespmem:s2+$0x3000];
	[tilespmem:s0+$0x4000] =	vst v6  }
0x6b: {  	v6 =	vld [tilespmem:s2+$0x4000];
	[tilespmem:s0+$0x5000] =	vst v7  }
0x6c: {  	v7 =	vld [tilespmem:s2+$0x5000]  }
0x6d: {  	v9 =	vld [tilespmem:s2+$0x1000]  }
0x6e: {  	v3 =	vmul.f32 v3, v1;
	v10 =	vld [tilespmem:s2+$0x2000]  }
0x6f: {  	v5 =	vmul.f32 v5, v1;
	v8 =	vmul.f32 v8, v1  }
0x70: {  	[tilespmem:s2+$0x7000] =	vst v3;
	v4 =	vmul.f32 v4, v1;
	v3 =	vmul.f32 v6, v1  }
0x71: {  	[tilespmem:s2+$0x8000] =	vst v5;
	v2 =	vadd.f32 v8, v2;
	v1 =	vmul.f32 v7, v1  }
0x72: {  	[tilespmem:s2+$0x9000] =	vst v4;
	v3 =	vadd.f32 v3, v9  }
0x73: {  	[tilespmem:s2+$0x3000] =	vst v2;
	v1 =	vadd.f32 v1, v10  }
0x74: {  	[tilespmem:s2+$0x4000] =	vst v3  }
0x75: {  	[tilespmem:s2+$0x5000] =	vst v1  }
0x76: {  	[hbm4b:s12+s16] =	stream.strided.scatter [tilespmem:s18], [sflag:$0x5], $0x3000, s19, s16, $0x38;
	[tilespmem:$0xD080] =	vst v63  }
0x77: {  	_ = 	snop  }
0x78: {  	[hbm4b:s13+s16] =	stream.strided.scatter [tilespmem:s20], [sflag:$0x5], $0x3000, s17, s16, $0x38;
	[tilespmem:$0xD080] =	vst v63  }
0x79: {  	_ =	swait.ge [sflag:s30], $0x1000  }
0x7a: {  	[sflag:s30] =	ssyncset.done $0x0  }
0x7b: {  	[sflag:s30] =	ssyncadd.s32 $0xFFFFF000  }
0x7c: {  	_ =	swait.ge [sflag:s30], $0x1000  }
0x7d: {  	[sflag:s30] =	ssyncset.done $0x0  }
0x7e: {  	[sflag:s30] =	ssyncadd.s32 $0xFFFFF000  }
0x7f: {  	_ =	swait.ge [sflag:s30], $0x1000  }
0x80: {  	[sflag:s30] =	ssyncset.done $0x0  }
0x81: {  	[sflag:s30] =	ssyncadd.s32 $0xFFFFF000  }
0x82: {  	_ =	swait.ge [sflag:s30], $0x3000  }
0x83: {  	[sflag:s30] =	ssyncset.done $0x0  }
0x84: {  	s31 =	sadd.s32 $0x1, s31;
	[sflag:s30] =	ssyncadd.s32 $0xFFFFD000  }
0x85: {  	p0 =	sne.s32 s31, s14;
	_ =	swait.ge [sflag:s30], $0x3000  }
.Ltmp2:
0x86: {  	[sflag:s30] =	ssyncset.done $0x0;
	(pc) =	sbr.rel @p0 .LBB2_1-.Ltmp2, $4  }
0x87: {  	[sflag:s30] =	ssyncadd.s32 $0xFFFFD000  }
0x88: {  	_ =	swait.ge [sflag:s30], $0x3000  }
0x89: {  	[sflag:s30] =	ssyncset.done $0x0  }
0x8a: {  	[sflag:s30] =	ssyncadd.s32 $0xFFFFD000  }
0x8b: {  	_ =	sfence.sel $0x180000  }
0x8c: {  	[bflag:$0x0] =	sbarrier.arrive $0xFFFF  }
0x8d: {  	_ =	strace $0x90000047  }
0x8e: {  	s0 =	stileid.u32;
	[bflag:$0x2] =	sbarrier.arrive $0xFFFF  }
0x8f: {  	p0 =	sne.s32 s0, $0x0;
	s0 =	rddreg [dreg:$0x9]  }
0x90: {  	s0 =	sadd.s32 @!p0 $0x100000, s0  }
0x91: {  	[sflag:s0] =	ssyncadd.tile.s32 @!p0 $0x1;
	_ =	shalt  }
.Lfunc_end2:
_tile_overlayer_lowered:
.L_overlay_start_2:
0x92: {  	(tag) =	ssettag $0x2  }
0x93: {  	s0 =	rddreg [dreg:$0x0];
	s2 =	stileid.u32  }
0x94: {  	s1 =	rddreg [dreg:$0x1];
	p0 =	sne.s32 s2, $0x0  }
0x95: {  	s3 =	rddreg [dreg:$0x2];
	[bflag:$0x3] =	sbarrier.arrive $0xFFFF;
	s2 =	simm.s32 @!p0 $0x1C06  }
0x96: {  	[timem:s3], [sflag:s2] =	dma.local @!p0 [hbm:s0], s1  }
0x97: {  	s0 =	simm.s32 @!p0 $0x6  }
0x98: {  	_ =	swait.ge @!p0 [sflag:s0], s1  }
0x99: {  	s1 =	ssub.s32 @!p0 $0x0, s1;
	[sflag:s0] =	ssyncset.done @!p0 $0x0  }
0x9a: {  	[sflag:s0] =	ssyncadd.s32 @!p0 s1  }
0x9b: {  	[bflag:$0x3] =	sbarrier.arrive $0xFFFF  }
0x9c: {  	_ =	shalt  }

</sc_bundles>
